<compile_context>
chip_gen: v7x
topology: tpu7x:2x2x1
jax: 0.10.2.dev20260603
libtpu: 0.0.44.dev20260713+nightly
codegen_flags: <defaults>
</compile_context>

<pallas_src>
import functools

import jax
import jax.numpy as jnp
from jax import lax
from jax.experimental import pallas as pl
from jax.experimental.pallas import tpu as pltpu
from jax.experimental.pallas import tpu_sc as plsc

_ROWS_PER_WORKER = 8


def _gather_rows_sc(idx, table):
    b = idx.shape[0]
    _, d = table.shape
    n_workers = b // _ROWS_PER_WORKER
    mesh = plsc.VectorSubcoreMesh(core_axis_name="c", subcore_axis_name="s")

    @functools.partial(
        pl.kernel,
        mesh=mesh,
        out_type=jax.ShapeDtypeStruct((b, d), jnp.float32),
        scratch_types=[
            pltpu.VMEM((_ROWS_PER_WORKER,), jnp.int32),
            pltpu.VMEM((_ROWS_PER_WORKER, d), jnp.float32),
            pltpu.SemaphoreType.DMA,
        ],
    )
    def gather_kernel(idx_hbm, table_hbm, out_hbm, idx_v, rows_v, sem):
        wid = lax.axis_index("s") * 2 + lax.axis_index("c")

        @pl.when(wid < n_workers)
        def _():
            base = wid * _ROWS_PER_WORKER
            pltpu.sync_copy(idx_hbm.at[pl.ds(base, _ROWS_PER_WORKER)], idx_v)
            pltpu.async_copy(table_hbm.at[idx_v], rows_v, sem).wait()
            pltpu.sync_copy(rows_v, out_hbm.at[pl.ds(base, _ROWS_PER_WORKER)])

    return gather_kernel(idx, table)


def _matmul_tc(h, w, tv=2048):
    b, d = h.shape
    _, v = w.shape

    def mm(h_ref, w_ref, o_ref):
        o_ref[...] = jnp.dot(h_ref[...].astype(jnp.bfloat16),
                             w_ref[...].astype(jnp.bfloat16),
                             preferred_element_type=jnp.float32)

    return pl.pallas_call(
        mm,
        grid=(pl.cdiv(v, tv),),
        in_specs=[
            pl.BlockSpec((b, d), lambda i: (0, 0)),
            pl.BlockSpec((d, tv), lambda i: (0, i)),
        ],
        out_specs=pl.BlockSpec((b, tv), lambda i: (0, i)),
        out_shape=jax.ShapeDtypeStruct((b, v), jnp.float32),
    )(h, w)


def kernel(x, embed, w_out):
    b, s = x.shape
    h = _gather_rows_sc(x.reshape(-1), embed)
    logits = _matmul_tc(h, w_out)
    return logits.reshape(b, s, -1)

# --- scband reference (transcript-rebuilt; emitter-appended) ---
"""Pipeline reference for scband-auto-classifier-wrapper-37649683317227 (READ-ONLY COPY).

The authoritative reference and input builder live on the scoring server;
editing this copy changes nothing except your own understanding.
"""

import jax, jax.numpy as jnp
import numpy as np

VOCAB = 100000
D_MODEL = 1024
B = 32
S = 1


def setup_inputs(seed: int = 0) -> dict:
    key = jax.random.key(seed)
    k1, k2, k3 = jax.random.split(key, 3)
    x = jax.random.randint(k1, (B, S), 0, VOCAB, dtype=jnp.int32)
    # stub `net` parameters: token embedding + output projection to vocab logits
    embed = jax.random.normal(k2, (VOCAB, D_MODEL), dtype=jnp.float32) * 0.02
    w_out = jax.random.normal(k3, (D_MODEL, VOCAB), dtype=jnp.float32) * 0.02
    return {"x": x, "embed": embed, "w_out": w_out}


def reference(x, embed, w_out):
    # AutoClassifierWrapper.forward: logits = self.net(x)
    # net modeled as embedding lookup followed by vocab projection
    h = jnp.take(embed, x, axis=0)          # [B, S, D] gather (SparseCore-friendly)
    logits = jnp.einsum('bsd,dv->bsv', h, w_out)  # [B, S, VOCAB]
    return logits

if __name__ == "__main__":
    import jax
    _d = setup_inputs()
    print(jax.jit(kernel)(*tuple(_d.values())))

</pallas_src>

<mosaic_0001>
#map = affine_map<(d0, d1) -> (0)>
#map1 = affine_map<(d0, d1) -> (0, 0)>
module attributes {stable_mosaic.version = 14 : i64} {
  func.func @gather_kernel(%arg0: i32, %arg1: i32, %arg2: memref<32xi32, #tpu.memory_space<hbm>>, %arg3: memref<100000x1024xf32, #tpu.memory_space<hbm>>, %arg4: memref<32x1024xf32, #tpu.memory_space<hbm>>, %arg5: memref<8xi32, #tpu.memory_space<vmem>>, %arg6: memref<8x1024xf32, #tpu.memory_space<vmem>>, %arg7: memref<!tpu.dma_semaphore, #tpu.memory_space<semaphore_mem>>) attributes {dimension_semantics = [#tpu.dimension_semantics<core_parallel>, #tpu.dimension_semantics<subcore_parallel>], iteration_bounds = array<i64: 2, 16>, scalar_prefetch = 0 : i64, scratch_operands = 3 : i64, tpu.core_type = #tpu.core_type<sc_vector_subcore>, window_params = [{transform_indices = #map}, {transform_indices = #map1}, {transform_indices = #map1}]} {
    %mul3A = arith.constant 2 : i32
    %mul3A_0 = arith.muli %arg1, %mul3A : i32
    %add3A = arith.addi %mul3A_0, %arg0 : i32
    %lt3A = arith.constant 4 : i32
    %lt3A_1 = arith.cmpi slt, %add3A, %lt3A : i32
    %convert_element_type3A = arith.extui %lt3A_1 : i1 to i32
    %cond3A = arith.constant 0 : i32
    %cond3A_2 = arith.cmpi ne, %convert_element_type3A, %cond3A : i32
    scf.if %cond3A_2 {
      %mul3A_3 = arith.constant 8 : i32
      %mul3A_4 = arith.muli %add3A, %mul3A_3 : i32
      "tpu.region"() ({
        %run_scoped3A = tpu.sem_alloc : memref<!tpu.dma_semaphore, #tpu.memory_space<semaphore_mem>>
        %dma_start3A_9 = tpu.memref_slice %arg2[%mul3A_4] : memref<32xi32, #tpu.memory_space<hbm>> -> memref<8xi32, #tpu.memory_space<hbm>>
        %dma_start3A_10 = tpu.memref_slice %arg2[%mul3A_4] : memref<32xi32, #tpu.memory_space<hbm>> -> memref<8xi32, #tpu.memory_space<hbm>>
        tpu.enqueue_dma source(%dma_start3A_10 : memref<8xi32, #tpu.memory_space<hbm>>) target(%arg5 : memref<8xi32, #tpu.memory_space<vmem>>) target_semaphore(%run_scoped3A : memref<!tpu.dma_semaphore, #tpu.memory_space<semaphore_mem>>)
        %dma_wait3A_11 = tpu.memref_slice %arg2[%mul3A_4] : memref<32xi32, #tpu.memory_space<hbm>> -> memref<8xi32, #tpu.memory_space<hbm>>
        %dma_wait3A_12 = tpu.memref_slice %arg2[%mul3A_4] : memref<32xi32, #tpu.memory_space<hbm>> -> memref<8xi32, #tpu.memory_space<hbm>>
        tpu.wait_dma2 semaphore(%run_scoped3A : memref<!tpu.dma_semaphore, #tpu.memory_space<semaphore_mem>>) src(%dma_wait3A_12 : memref<8xi32, #tpu.memory_space<hbm>>) dst(%arg5 : memref<8xi32, #tpu.memory_space<vmem>>)
        tpu.yield
      }) : () -> ()
      %dma_start3A = arith.constant 0 : i32
      %dma_start3A_5 = arith.constant 0 : i32
      %dma_start3A_6 = tpu.memref_slice %arg3[%dma_start3A, %dma_start3A_5] : memref<100000x1024xf32, #tpu.memory_space<hbm>> -> memref<100000x1024xf32, #tpu.memory_space<hbm>>
      tpu.enqueue_indirect_dma source(%dma_start3A_6 : memref<100000x1024xf32, #tpu.memory_space<hbm>>) target(%arg6 : memref<8x1024xf32, #tpu.memory_space<vmem>>) offsets(%arg5 : memref<8xi32, #tpu.memory_space<vmem>>) semaphore(%arg7 : memref<!tpu.dma_semaphore, #tpu.memory_space<semaphore_mem>>)
      %dma_wait3A = arith.constant 0 : i32
      %dma_wait3A_7 = arith.constant 0 : i32
      %dma_wait3A_8 = tpu.memref_slice %arg3[%dma_wait3A, %dma_wait3A_7] : memref<100000x1024xf32, #tpu.memory_space<hbm>> -> memref<100000x1024xf32, #tpu.memory_space<hbm>>
      tpu.wait_indirect_dma semaphore(%arg7 : memref<!tpu.dma_semaphore, #tpu.memory_space<semaphore_mem>>) src(%dma_wait3A_8 : memref<100000x1024xf32, #tpu.memory_space<hbm>>) dst(%arg6 : memref<8x1024xf32, #tpu.memory_space<vmem>>)
      "tpu.region"() ({
        %run_scoped3A = tpu.sem_alloc : memref<!tpu.dma_semaphore, #tpu.memory_space<semaphore_mem>>
        %dma_start3A_9 = arith.constant 0 : i32
        %dma_start3A_10 = tpu.memref_slice %arg4[%mul3A_4, %dma_start3A_9] : memref<32x1024xf32, #tpu.memory_space<hbm>> -> memref<8x1024xf32, #tpu.memory_space<hbm>>
        %dma_start3A_11 = arith.constant 0 : i32
        %dma_start3A_12 = tpu.memref_slice %arg4[%mul3A_4, %dma_start3A_11] : memref<32x1024xf32, #tpu.memory_space<hbm>> -> memref<8x1024xf32, #tpu.memory_space<hbm>>
        tpu.enqueue_dma source(%arg6 : memref<8x1024xf32, #tpu.memory_space<vmem>>) target(%dma_start3A_12 : memref<8x1024xf32, #tpu.memory_space<hbm>>) target_semaphore(%run_scoped3A : memref<!tpu.dma_semaphore, #tpu.memory_space<semaphore_mem>>)
        %dma_wait3A_13 = arith.constant 0 : i32
        %dma_wait3A_14 = tpu.memref_slice %arg4[%mul3A_4, %dma_wait3A_13] : memref<32x1024xf32, #tpu.memory_space<hbm>> -> memref<8x1024xf32, #tpu.memory_space<hbm>>
        %dma_wait3A_15 = arith.constant 0 : i32
        %dma_wait3A_16 = tpu.memref_slice %arg4[%mul3A_4, %dma_wait3A_15] : memref<32x1024xf32, #tpu.memory_space<hbm>> -> memref<8x1024xf32, #tpu.memory_space<hbm>>
        tpu.wait_dma2 semaphore(%run_scoped3A : memref<!tpu.dma_semaphore, #tpu.memory_space<semaphore_mem>>) src(%arg6 : memref<8x1024xf32, #tpu.memory_space<vmem>>) dst(%dma_wait3A_16 : memref<8x1024xf32, #tpu.memory_space<hbm>>)
        tpu.yield
      }) : () -> ()
    } else {
    }
    return
  }
}

module attributes {stable_mosaic.version = 14 : i64} {
  func.func @mm(%arg0: i32, %arg1: memref<32x1024xf32, #tpu.memory_space<vmem>>, %arg2: memref<1024x2048xf32, #tpu.memory_space<vmem>>, %arg3: memref<32x2048xf32, #tpu.memory_space<vmem>>) attributes {dimension_semantics = [#tpu.dimension_semantics<arbitrary>], iteration_bounds = array<i64: 49>, scalar_prefetch = 0 : i64, scratch_operands = 0 : i64, tpu.core_type = #tpu.core_type<tc>, window_params = [{pipeline_mode = #tpu.pipeline_mode<synchronous>, transform_indices = @transform_0, window_bounds = array<i64: 32, 1024>}, {transform_indices = @transform_1, window_bounds = array<i64: 1024, 2048>}, {transform_indices = @transform_2, window_bounds = array<i64: 32, 2048>}]} {
    %get3A = arith.constant 0 : index
    %get3A_0 = arith.constant 0 : index
    %get3A_1 = vector.load %arg1[%get3A, %get3A_0] : memref<32x1024xf32, #tpu.memory_space<vmem>>, vector<32x1024xf32>
    %convert_element_type3A = arith.truncf %get3A_1 : vector<32x1024xf32> to vector<32x1024xbf16>
    %get3A_2 = arith.constant 0 : index
    %get3A_3 = arith.constant 0 : index
    %get3A_4 = vector.load %arg2[%get3A_2, %get3A_3] : memref<1024x2048xf32, #tpu.memory_space<vmem>>, vector<1024x2048xf32>
    %convert_element_type3A_5 = arith.truncf %get3A_4 : vector<1024x2048xf32> to vector<1024x2048xbf16>
    %dot_general3A = arith.constant dense<0.000000e+00> : vector<32x2048xf32>
    %dot_general3A_6 = tpu.matmul %convert_element_type3A, %convert_element_type3A_5, %dot_general3A {dimension_numbers = #tpu.dot_dimension_numbers<[1], [0], [0], [1], [0, 0, 1, 1], [], []>, transpose_lhs_hint = false} : vector<32x1024xbf16>, vector<1024x2048xbf16>, vector<32x2048xf32> -> vector<32x2048xf32>
    %swap3A = arith.constant 0 : index
    %swap3A_7 = arith.constant 0 : index
    %swap3A_8 = vector.load %arg3[%swap3A, %swap3A_7] : memref<32x2048xf32, #tpu.memory_space<vmem>>, vector<32x2048xf32>
    tpu.vector_store %arg3[%swap3A, %swap3A_7], %dot_general3A_6 {strides = array<i32>} : memref<32x2048xf32, #tpu.memory_space<vmem>>, vector<32x2048xf32>,
    return
  }
  func.func @transform_0(%arg0: i32) -> (i32, i32) {
    %c0_i32 = arith.constant 0 : i32
    %c0_i32_0 = arith.constant 0 : i32
    %c0_i32_1 = arith.constant 0 : i32
    return %c0_i32, %c0_i32_0 : i32, i32
  }
  func.func @transform_1(%arg0: i32) -> (i32, i32) {
    %c0_i32 = arith.constant 0 : i32
    %c0_i32_0 = arith.constant 0 : i32
    return %c0_i32, %arg0 : i32, i32
  }
  func.func @transform_2(%arg0: i32) -> (i32, i32) {
    %c0_i32 = arith.constant 0 : i32
    %c0_i32_0 = arith.constant 0 : i32
    return %c0_i32, %arg0 : i32, i32
  }
}

</mosaic_0001>

<sc_bundles>
// kernel: kernel.4.cloned.1.call-start
scs
__scs_entry_jumppad:
0x0: {  	(pc) =	sbr.rel $0x88, $3  }
0x1: {  	(tag) =	ssettag $0x0;
	lr =	simm.s32 $0x1  }
0x2: {  	[smem:$0x3F9E] =	sst lr;
	_ =	strace $0xD0000000  }
0x3: {  	_ = 	snop  }
0x4: {  	_ = 	snop  }
0x5: {  	_ = 	snop  }
0x6: {  	_ = 	snop  }
0x7: {  	_ = 	snop  }
__scs_overlays_trampoline_lowered:
0x8: {  	[smem:$0x3FAD] =	sst s0  }
0x9: {  	[smem:$0x3FAE] =	sst s1  }
0xa: {  	[smem:$0x3FAF] =	sst s2  }
0xb: {  	[smem:$0x3FB0] =	sst s3  }
0xc: {  	[smem:$0x3FB1] =	sst s4  }
0xd: {  	[smem:$0x3FB2] =	sst s5  }
0xe: {  	[smem:$0x3FB3] =	sst s6  }
0xf: {  	[smem:$0x3FB4] =	sst s7  }
0x10: {  	[smem:$0x3FB5] =	sst s8  }
0x11: {  	[smem:$0x3FB6] =	sst s9;
	s0 =	simm.s32 @!p0 $0x0  }
0x12: {  	s1 =	sld [smem:$0x3F9C];
	s0 =	simm.s32 @p0 $0x1  }
0x13: {  	[smem:$0x3FB7] =	sst s0;
	s0 =	simm.s32 @!p1 $0x0  }
0x14: {  	s2 =	sld [smem:$0x3F9B];
	s0 =	simm.s32 @p1 $0x1  }
0x15: {  	[smem:$0x3FB8] =	sst s0;
	s0 =	simm.s32 @!p2 $0x0  }
0x16: {  	s3 =	sld [smem:$0x3FDB];
	s0 =	simm.s32 @p2 $0x1  }
0x17: {  	s4 =	simm.s32 $0x1BF5;
	[smem:$0x3FBA] =	sst s0  }
0x18: {  	s0 =	sld [smem:$0x3F9D];
	_ =	swait.ge [sflag:s4], $0x0  }
0x19: {  	s7 =	sld [smem:$0x3F9E]  }
0x1a: {  	s8 =	sadd.s32 $0xFFFFE003, lr  }
0x1b: {  	s9 =	sadd.s32 $0xFFFFFEF7, lr;
	s5 =	simm.s32 $0xFFFFFFFF;
	p2 =	slt.u32 s8, $0xFFFFF086  }
0x1c: {  	p1 =	slt.u32 s9, $0xF7A;
	s5 =	simm.s32 @!p2 $0x0  }
0x1d: {  	s5 =	simm.s32 @p1 $0x1;
	p0 =	seq.s32 s7, s2  }
0x1e: {  	s7 =	smul.u32 @!p0 $0xF7A, s2;
	p2 =	seq.s32 @!p0 s5, $0x0  }
0x1f: {  	s9 =	smul.u32 $0xF7A, s1;
	s8 =	simm.s32 @!p0 $0x1BF5;
	p2 =	por !p2, p0  }
0x20: {  	[sflag:s8] =	ssyncset.s32 @!p0 $0xFFFFF086;
	s6 =	sadd.s32 @!p0 s3, s7;
	s7 =	simm.s32 @!p0 $0x108  }
0x21: {  	s3 =	sadd.s32 s3, s9;
	s6 =	sadd.s32 @!p0 $0x88, s6;
	s7 =	simm.s32 @p2 $0x1082  }
0x22: {  	[simem:s7], [sflag:s8] =	dma.local @!p0 [hbm:s6], $0xF7A  }
0x23: {  	s9 =	sor.u32 $0xD0000000, s2;
	s6 =	simm.s32 $0x108;
	_ =	swait.ge @!p0 [sflag:s8], $0x0  }
0x24: {  	s3 =	sadd.s32 $0x88, s3;
	s6 =	simm.s32 @!p1 $0x1082;
	[sflag:s4] =	ssyncset.s32 $0xFFFFF086  }
0x25: {  	[simem:s6], [sflag:s4] =	dma.local [hbm:s3], $0xF7A  }
0x26: {  	[smem:$0x3F9E] =	sst s1;
	(tag) =	ssettag s2;
	_ =	strace s9  }
0x27: {  	s1 =	sld [smem:$0x3FAE]  }
0x28: {  	s2 =	sld [smem:$0x3FAF]  }
0x29: {  	s4 =	sld [smem:$0x3FB1]  }
0x2a: {  	p0 =	seq.s32 s5, $0x0;
	s5 =	sld [smem:$0x3FB2]  }
0x2b: {  	s6 =	sld [smem:$0x3FB3]  }
0x2c: {  	s7 =	sld [smem:$0x3FB4]  }
0x2d: {  	s3 =	simm.s32 $0x108;
	s8 =	sld [smem:$0x3FB5]  }
0x2e: {  	s3 =	simm.s32 @!p0 $0x1082;
	s9 =	sld [smem:$0x3FB6]  }
0x2f: {  	lr =	sadd.s32 s0, s3;
	s0 =	sld [smem:$0x3FAD]  }
0x30: {  	s3 =	sld [smem:$0x3FB0]  }
0x31: {  	[smem:$0x3FB9] =	sst s10  }
0x32: {  	s10 =	sld [smem:$0x3FB7];
	_ =	sdelay $0x3  }
0x33: {  	p0 =	seq.s32 s10, $0x1;
	s10 =	sld [smem:$0x3FB9];
	_ =	sdelay $0x3  }
0x34: {  	[smem:$0x3FB9] =	sst s10  }
0x35: {  	s10 =	sld [smem:$0x3FB8];
	_ =	sdelay $0x3  }
0x36: {  	p1 =	seq.s32 s10, $0x1;
	s10 =	sld [smem:$0x3FB9];
	_ =	sdelay $0x3  }
0x37: {  	[smem:$0x3FB9] =	sst s10  }
0x38: {  	s10 =	sld [smem:$0x3FBA]  }
0x39: {  	_ = 	snop;
	(pc) =	sbr.ind lr, $3  }
0x3a: {  	_ = 	snop  }
0x3b: {  	_ = 	snop  }
0x3c: {  	p2 =	seq.s32 s10, $0x1;
	s10 =	sld [smem:$0x3FB9]  }
0x3d: {  	_ =	shalt  }
0x3e: {  	_ =	shalt  }
0x3f: {  	_ =	shalt  }
0x40: {  	_ =	shalt  }
0x41: {  	_ =	shalt  }
0x42: {  	_ =	shalt  }
0x43: {  	_ =	shalt  }
0x44: {  	_ =	shalt  }
0x45: {  	_ =	shalt  }
0x46: {  	_ =	shalt  }
0x47: {  	_ =	shalt  }
0x48: {  	_ =	shalt  }
0x49: {  	_ =	shalt  }
0x4a: {  	_ =	shalt  }
0x4b: {  	_ =	shalt  }
0x4c: {  	_ =	shalt  }
0x4d: {  	_ =	shalt  }
0x4e: {  	_ =	shalt  }
0x4f: {  	_ =	shalt  }
0x50: {  	_ =	shalt  }
0x51: {  	_ =	shalt  }
0x52: {  	_ =	shalt  }
0x53: {  	_ =	shalt  }
0x54: {  	_ =	shalt  }
0x55: {  	_ =	shalt  }
0x56: {  	_ =	shalt  }
0x57: {  	_ =	shalt  }
0x58: {  	_ =	shalt  }
0x59: {  	_ =	shalt  }
0x5a: {  	_ =	shalt  }
0x5b: {  	_ =	shalt  }
0x5c: {  	_ =	shalt  }
0x5d: {  	_ =	shalt  }
0x5e: {  	_ =	shalt  }
0x5f: {  	_ =	shalt  }
0x60: {  	_ =	shalt  }
0x61: {  	_ =	shalt  }
0x62: {  	_ =	shalt  }
0x63: {  	_ =	shalt  }
0x64: {  	_ =	shalt  }
0x65: {  	_ =	shalt  }
0x66: {  	_ =	shalt  }
0x67: {  	_ =	shalt  }
0x68: {  	_ =	shalt  }
0x69: {  	_ =	shalt  }
0x6a: {  	_ =	shalt  }
0x6b: {  	_ =	shalt  }
0x6c: {  	_ =	shalt  }
0x6d: {  	_ =	shalt  }
0x6e: {  	_ =	shalt  }
0x6f: {  	_ =	shalt  }
0x70: {  	_ =	shalt  }
0x71: {  	_ =	shalt  }
0x72: {  	_ =	shalt  }
0x73: {  	_ =	shalt  }
0x74: {  	_ =	shalt  }
0x75: {  	_ =	shalt  }
0x76: {  	_ =	shalt  }
0x77: {  	_ =	shalt  }
0x78: {  	_ =	shalt  }
0x79: {  	_ =	shalt  }
0x7a: {  	_ =	shalt  }
0x7b: {  	_ =	shalt  }
0x7c: {  	_ =	shalt  }
0x7d: {  	_ =	shalt  }
0x7e: {  	_ =	shalt  }
0x7f: {  	_ =	shalt  }
0x80: {  	_ =	shalt  }
0x81: {  	_ =	shalt  }
0x82: {  	_ =	shalt  }
0x83: {  	_ =	shalt  }
0x84: {  	_ =	shalt  }
0x85: {  	_ =	shalt  }
0x86: {  	_ =	shalt  }
0x87: {  	_ =	shalt  }
.Lfunc_end0:
.L_simem_size_0:
called_computation_lowered:
.L_overlay_start_0:
0x88: {  	s2 =	sld [smem:$0x3FD9]  }
0x89: {  	s3 =	sld [smem:$0x3FFE];
	_ =	sdelay $0x1  }
0x8a: {  	s1 =	srdreg.scid  }
0x8b: {  	s0 =	sand.u32 $0x1, s1  }
0x8c: {  	s18 =	sshll.u32 s0, $0xA;
	s2 =	sadd.s32 s3, s2  }
0x8d: {  	s2 =	sadd.s32 s2, s18  }
0x8e: {  	[smem:$0x3FC5] =	sst s2  }
0x8f: {  	_ = 	snop  }
0x90: {  	s2 =	sld [smem:$0x3FC9]  }
0x91: {  	s19 =	sld [smem:$0x3FC8]  }
0x92: {  	s4 =	sld [smem:$0x3FD0];
	(tm) =	ssettm $0x1  }
0x93: {  	s5 =	sld [smem:$0x3FFB];
	_ =	sdelay $0x3  }
0x94: {  	_ =	strace s5  }
0x95: {  	s5 =	sld [smem:$0x3FFC];
	_ =	sdelay $0x3  }
0x96: {  	_ =	strace s5  }
0x97: {  	s5 =	sld [smem:$0x3FFD];
	_ =	sdelay $0x3  }
0x98: {  	_ =	strace s5  }
0x99: {  	_ =	strace $0x8FFFFFFF  }
0x9a: {  	s20 =	sld [smem:$0x3FDB];
	_ =	sdelay $0x1  }
0x9b: {  	s6 =	simm.s32 $_scs_section_size  }
0x9c: {  	s7 =	simm.s32 $_size__tile_overlayer_lowered;
	s8 =	simm.s32 $_tile_overlayer_lowered  }
0x9d: {  	s23 =	simm.s32 $0x1BFF;
	s22 =	sshll.u32 s8, $0x1;
	s5 =	sadd.s32 s6, s20  }
0x9e: {  	s9 =	simm.s32 $0x0;
	s21 =	sshll.u32 s7, $0x1;
	s7 =	sadd.s32 s22, s5  }
0x9f: {  	[timem:s9], [sflag:s23] =	dma.local [hbm:s7], s21  }
0xa0: {  	_ =	swait.ge [sflag:s23], s21  }
0xa1: {  	s6 =	ssub.s32 $0x0, s21;
	[sflag:s23] =	ssyncset.done $0x0  }
0xa2: {  	[sflag:s23] =	ssyncadd.s32 s6;
	_ =	sdelay $0x1  }
0xa3: {  	s24 =	simm.s32 $0x1B8B  }
0xa4: {  	_ =	swait.ge [sflag:s24], $0x1  }
0xa5: {  	[sflag:s24] =	ssyncset.done $0x0  }
0xa6: {  	s25 =	simm.s32 $0x1B8E;
	[sflag:s24] =	ssyncadd.s32 $0xFFFFFFFF  }
0xa7: {  	s26 =	simm.s32 $execute0_lowered;
	[smem:$0x3FD2] =	sst s25  }
0xa8: {  	s6 =	sshll.u32 s26, $0x1;
	_ =	strace $0x80000046;
	[dreg:$0x1] =	wrdreg $0xFFFFFFFF  }
0xa9: {  	s28 =	simm.s32 $_size_execute0_lowered;
	s5 =	sadd.s32 s5, s6;
	[dreg:$0x0] =	wrdreg $0x0  }
0xaa: {  	s6 =	sshll.u32 s28, $0x1;
	[dreg:$0x2] =	wrdreg s5  }
0xab: {  	[dreg:$0x3] =	wrdreg s6  }
0xac: {  	[dreg:$0x4] =	wrdreg $0xC0  }
0xad: {  	_ =	task [dreg:s9], $0x5FFFF  }
0xae: {  	[dreg:$0x1] =	wrdreg $0xFFFFFFFF  }
0xaf: {  	[dreg:$0x0] =	wrdreg $0x60  }
0xb0: {  	[dreg:$0x2] =	wrdreg s2  }
0xb1: {  	[dreg:$0x3] =	wrdreg s19  }
0xb2: {  	[dreg:$0x4] =	wrdreg s4  }
0xb3: {  	[dreg:$0x5] =	wrdreg $0x9  }
0xb4: {  	_ =	task.clear_ibuf [dreg:s9], $0x6FFFF;
	_ =	strace $0x90000046  }
0xb5: {  	s29 =	simm.s32 $0x9;
	_ =	strace $0x80000048  }
0xb6: {  	_ =	swait.ge [sflag:s29], $0x1  }
0xb7: {  	[sflag:s29] =	ssyncadd.s32 $0xFFFFFFFF  }
0xb8: {  	_ =	strace $0x90000048  }
0xb9: {  	_ =	sfence  }
0xba: {  	s30 =	sld [smem:$0x0];
	_ =	sdelay $0x2  }
0xbb: {  	s31 =	sshll.u32 s1, $0xD;
	s1 =	sshrl.u32 s1, $0x2  }
0xbc: {  	s3 =	sand.u32 $0x4000, s31;
	s1 =	sadd.s32 s1, s30  }
0xbd: {  	s0 =	sor.u32 s3, s0;
	s1 =	sshll.u32 s1, $0x11  }
0xbe: {  	s0 =	sor.u32 s1, s0  }
0xbf: {  	s0 =	sadd.s32 $0x8F2B, s0  }
0xc0: {  	[sflag:s0] =	ssyncadd.remote.s32 $0x1  }
0xc1: {  	_ =	sfence.sel $0xFFFF  }
0xc2: {  	[dreg:$0x0] =	wrdreg $0xFFFFFFFF;
	(pc) =	sbr.abs _section_cstart, $3  }
0xc3: {  	[dreg:$0x1] =	wrdreg $0xFFFFFFFF  }
0xc4: {  	_ =	task.clear_ibuf [dreg:s9], $0x2FFFF;
	_ =	strace $0x9FFFFFFF  }
0xc5: {  	(tm) =	ssettm $0x7FFFFFFF  }
tec
execute0_lowered:
.L_overlay_start_1:
0x0: {  	(tag) =	ssettag $0x1  }
0x1: {  	s1 =	stileid.u32  }
0x2: {  	p0 =	sgt.u32 s1, $0x1  }
.Ltmp0:
0x3: {  	s4 =	rddreg [dreg:$0x0];
	(pc) =	sbr.rel @p0 .LBB2_4-.Ltmp0, $4  }
0x4: {  	s2 =	rddreg [dreg:$0x1]  }
0x5: {  	s14 =	rddreg [dreg:$0x2];
	s3 =	simm.s32 $0x0  }
0x6: {  	[smem:$0x7FF] =	sst s3  }
0x7: {  	s0 =	rddreg [dreg:$0x3];
	_ =	strace $0x80000047  }
0x8: {  	s5 =	srdreg.scid  }
0x9: {  	s30 =	sshll.u32 s1, $0x1;
	s12 =	sand.u32 $0x1, s5  }
0xa: {  	s15 =	sor.u32 s12, s30  }
0xb: {  	s5 =	sadd.s32 s4, s15;
	s4 =	simm.s32 $0x2  }
0xc: {  	[tilespmem:s3], [sflag:$0x2] =	stream.linear.gather [hbm4b:s5+s3], $0x8, $0x38;
	[tilespmem:$0x2080] =	vst v63  }
0xd: {  	_ =	swait.ge [sflag:s4], $0x8  }
0xe: {  	[sflag:s4] =	ssyncset.done $0x0  }
0xf: {  	[sflag:s4] =	ssyncadd.s32 $0xFFFFFFF8  }
0x10: {  	v0 =	vld.msk [tilespmem:$0x0], $0xff;
	_ =	sdelay $0x4  }
0x11: {  	v1 =	vshll.u32 v0, $0x3  }
0x12: {  	v2 =	vlaneseq.u32;
	v3 =	vand.u32 $0x7, v0;
	v1 =	vand.u32 $0xFFFFFFC0, v1  }
0x13: {  	v0 =	vand.u32 $0x7, v2;
	v2 =	vshrl.u32 v2, $0x3;
	v3 =	vor.u32 v3, v1  }
0x14: {  	v1 =	vmul.u32 $0x8, v2;
	v2 =	vperm.xlane v3, v0;
	_ =	sdelay $0x1  }
0x15: {  	v2 =	vadd.s32 v1, v2;
	_ =	sdelay $0x3  }
0x16: {  	vm0 =	vmmov $0xffff;
	s6 =	simm.s32 $0x80;
	s7 =	sadd.s32 $0x100, s2;
	s16 =	ssub.s32 $0x2, s12  }
0x17: {  	[tilespmem:s6], [sflag:$0x1] =	stream.indirect_vreg.gather [hbm4b:s2+s3], $0x80, v2, vm0, $0xb8;
	[tilespmem:$0x2080] =	vst v63  }
0x18: {  	s8 =	simm.s32 $0x880;
	s9 =	sadd.s32 $0x200, s2;
	s17 =	sshrl.u32 s16, $0x1  }
0x19: {  	[tilespmem:s8], [sflag:$0x1] =	stream.indirect_vreg.gather [hbm4b:s7+s3], $0x80, v2, vm0, $0xb8;
	[tilespmem:$0x2080] =	vst v63  }
0x1a: {  	s10 =	sadd.s32 $0x300, s2;
	s11 =	simm.s32 $0x1080;
	s16 =	ssub.s32 s16, s17  }
0x1b: {  	[tilespmem:s11], [sflag:$0x1] =	stream.indirect_vreg.gather [hbm4b:s9+s3], $0x80, v2, vm0, $0xb8;
	[tilespmem:$0x2080] =	vst v63  }
0x1c: {  	s13 =	simm.s32 $0x1;
	s12 =	simm.s32 $0x1880;
	s31 =	smax.u32 s16, $0x1  }
0x1d: {  	[tilespmem:s12], [sflag:$0x1] =	stream.indirect_vreg.gather [hbm4b:s10+s3], $0x80, v2, vm0, $0xb8;
	[tilespmem:$0x2080] =	vst v63  }
0x1e: {  	p0 =	sne.s32 s31, $0x1;
	_ =	swait.ge [sflag:s13], $0x2000  }
.Ltmp1:
0x1f: {  	s15 =	sshll.u32 s15, $0xA;
	[sflag:s13] =	ssyncset.done $0x0;
	(pc) =	sbr.rel @!p0 .LBB2_3-.Ltmp1, $4  }
0x20: {  	s14 =	sadd.s32 s14, s15;
	[sflag:s13] =	ssyncadd.s32 $0xFFFFE000  }
0x21: {  	[hbm4b:s14+s3] =	stream.linear.scatter [tilespmem:s6], [sflag:$0x2], $0x2000, $0x38;
	[tilespmem:$0x2080] =	vst v63  }
0x22: {  	_ =	swait.ge [sflag:s4], $0x2000  }
0x23: {  	s15 =	sadd.s32 $0xFFFFFFFF, s31;
	[sflag:s4] =	ssyncset.done $0x0  }
.LBB2_2:
0x24: {  	p0 =	sne.s32 s15, $0x1;
	s15 =	sadd.s32 $0xFFFFFFFF, s15;
	[sflag:s4] =	ssyncadd.s32 $0xFFFFE000  }
0x25: {  	[tilespmem:s3], [sflag:$0x2] =	stream.linear.gather [hbm4b:s5+s3], $0x8, $0x38;
	[tilespmem:$0x2080] =	vst v63  }
0x26: {  	_ =	swait.ge [sflag:s4], $0x8  }
0x27: {  	[sflag:s4] =	ssyncset.done $0x0  }
0x28: {  	[sflag:s4] =	ssyncadd.s32 $0xFFFFFFF8  }
0x29: {  	v2 =	vld.msk [tilespmem:$0x0], $0xff;
	_ =	sdelay $0x4  }
0x2a: {  	v3 =	vshll.u32 v2, $0x3  }
0x2b: {  	v2 =	vand.u32 $0x7, v2;
	v3 =	vand.u32 $0xFFFFFFC0, v3  }
0x2c: {  	v2 =	vor.u32 v2, v3  }
0x2d: {  	v2 =	vperm.xlane v2, v0;
	_ =	sdelay $0x1  }
0x2e: {  	v2 =	vadd.s32 v1, v2;
	_ =	sdelay $0x4  }
0x2f: {  	[tilespmem:s6], [sflag:$0x1] =	stream.indirect_vreg.gather [hbm4b:s2+s3], $0x80, v2, vm0, $0xb8;
	[tilespmem:$0x2080] =	vst v63  }
0x30: {  	_ = 	snop  }
0x31: {  	[tilespmem:s8], [sflag:$0x1] =	stream.indirect_vreg.gather [hbm4b:s7+s3], $0x80, v2, vm0, $0xb8;
	[tilespmem:$0x2080] =	vst v63  }
0x32: {  	_ = 	snop  }
0x33: {  	[tilespmem:s11], [sflag:$0x1] =	stream.indirect_vreg.gather [hbm4b:s9+s3], $0x80, v2, vm0, $0xb8;
	[tilespmem:$0x2080] =	vst v63  }
0x34: {  	_ = 	snop  }
0x35: {  	[tilespmem:s12], [sflag:$0x1] =	stream.indirect_vreg.gather [hbm4b:s10+s3], $0x80, v2, vm0, $0xb8;
	[tilespmem:$0x2080] =	vst v63  }
0x36: {  	_ =	swait.ge [sflag:s13], $0x2000  }
.Ltmp2:
0x37: {  	[sflag:s13] =	ssyncset.done $0x0;
	(pc) =	sbr.rel @p0 .LBB2_2-.Ltmp2, $4  }
0x38: {  	[sflag:s13] =	ssyncadd.s32 $0xFFFFE000  }
0x39: {  	[hbm4b:s14+s3] =	stream.linear.scatter [tilespmem:s6], [sflag:$0x2], $0x2000, $0x38;
	[tilespmem:$0x2080] =	vst v63  }
0x3a: {  	_ =	swait.ge [sflag:s4], $0x2000  }
0x3b: {  	[sflag:s4] =	ssyncset.done $0x0  }
.LBB2_3:
0x3c: {  	[sflag:s4] =	ssyncadd.s32 $0xFFFFE000  }
.LBB2_4:
0x3d: {  	_ =	sfence.sel $0x180000  }
0x3e: {  	[bflag:$0x0] =	sbarrier.arrive $0xFFFF  }
0x3f: {  	p0 =	sne.s32 s1, $0x0;
	_ =	strace $0x90000047  }
0x40: {  	s0 =	sadd.s32 @!p0 $0x100000, s0;
	[bflag:$0x2] =	sbarrier.arrive $0xFFFF  }
0x41: {  	[sflag:s0] =	ssyncadd.tile.s32 @!p0 $0x1;
	_ =	shalt  }
.Lfunc_end2:
_tile_overlayer_lowered:
.L_overlay_start_2:
0x42: {  	(tag) =	ssettag $0x2  }
0x43: {  	s0 =	rddreg [dreg:$0x0];
	s2 =	stileid.u32  }
0x44: {  	s1 =	rddreg [dreg:$0x1];
	p0 =	sne.s32 s2, $0x0  }
0x45: {  	s3 =	rddreg [dreg:$0x2];
	[bflag:$0x3] =	sbarrier.arrive $0xFFFF;
	s2 =	simm.s32 @!p0 $0x1C02  }
0x46: {  	[timem:s3], [sflag:s2] =	dma.local @!p0 [hbm:s0], s1  }
0x47: {  	s0 =	simm.s32 @!p0 $0x2  }
0x48: {  	_ =	swait.ge @!p0 [sflag:s0], s1  }
0x49: {  	s1 =	ssub.s32 @!p0 $0x0, s1;
	[sflag:s0] =	ssyncset.done @!p0 $0x0  }
0x4a: {  	[sflag:s0] =	ssyncadd.s32 @!p0 s1  }
0x4b: {  	[bflag:$0x3] =	sbarrier.arrive $0xFFFF  }
0x4c: {  	_ =	shalt  }

</sc_bundles>
